<compile_context>
chip_gen: v7x
topology: tpu7x:2x2x1
jax: 0.10.2.dev20260603
libtpu: 0.0.44.dev20260713+nightly
codegen_flags: <defaults>
</compile_context>

<pallas_src>
import functools

import jax
import jax.numpy as jnp
from jax import lax
from jax.experimental import pallas as pl
from jax.experimental.pallas import tpu as pltpu
from jax.experimental.pallas import tpu_sc as plsc

N_SPEAKERS = 5
B, C, T = 16, 512, 4096
T_BLK = 1024


def _gather_rows_sc(scale_table, shift_table, idx):
    mesh = plsc.VectorSubcoreMesh(core_axis_name="c", subcore_axis_name="s")

    @functools.partial(
        pl.kernel,
        mesh=mesh,
        out_type=[
            jax.ShapeDtypeStruct((B, C), jnp.float32),
            jax.ShapeDtypeStruct((B, C), jnp.float32),
        ],
        scratch_types=[
            pltpu.VMEM((B,), jnp.int32),
            pltpu.VMEM((B, C), jnp.float32),
            pltpu.SemaphoreType.DMA,
        ],
    )
    def gather_kernel(scale_hbm, shift_hbm, idx_hbm, scale_out, shift_out,
                      idx_v, rows_v, sem):
        wid = lax.axis_index("s") * 2 + lax.axis_index("c")

        @pl.when(wid == 0)
        def _():
            pltpu.sync_copy(idx_hbm, idx_v)
            pltpu.async_copy(scale_hbm.at[idx_v], rows_v, sem).wait()
            pltpu.sync_copy(rows_v, scale_out)

        @pl.when(wid == 1)
        def _():
            pltpu.sync_copy(idx_hbm, idx_v)
            pltpu.async_copy(shift_hbm.at[idx_v], rows_v, sem).wait()
            pltpu.sync_copy(rows_v, shift_out)

    return gather_kernel(scale_table, shift_table, idx)


ROWS = 256


def _film_body(s_ref, sh_ref, x_ref, o_ref):
    o_ref[...] = s_ref[...] * x_ref[...] + sh_ref[...]


def _film_tc(x, scale_rows, shift_rows):
    xf = x.reshape(B * C, T)
    s2 = scale_rows.reshape(B * C, 1)
    sh2 = shift_rows.reshape(B * C, 1)
    out = pl.pallas_call(
        _film_body,
        grid=(B * C // ROWS,),
        in_specs=[
            pl.BlockSpec((ROWS, 1), lambda r: (r, 0)),
            pl.BlockSpec((ROWS, 1), lambda r: (r, 0)),
            pl.BlockSpec((ROWS, T), lambda r: (r, 0)),
        ],
        out_specs=pl.BlockSpec((ROWS, T), lambda r: (r, 0)),
        out_shape=jax.ShapeDtypeStruct((B * C, T), jnp.float32),
        compiler_params=pltpu.CompilerParams(
            dimension_semantics=("arbitrary",),
        ),
    )(s2, sh2, xf)
    return out.reshape(B, C, T)


def kernel(x, index, shift_table, scale_table):
    idx = index.astype(jnp.int32)
    scale_rows, shift_rows = _gather_rows_sc(scale_table, shift_table, idx)
    return _film_tc(x, scale_rows, shift_rows)

# --- scband reference (transcript-rebuilt; emitter-appended) ---
"""Pipeline reference for scband-speaker-fi-lm-37709812859662 (READ-ONLY COPY).

The authoritative reference and input builder live on the scoring server;
editing this copy changes nothing except your own understanding.
"""

import jax, jax.numpy as jnp
import numpy as np

N_SPEAKERS = 5
OUTPUT_SIZE = 512
B, C, T = 16, 512, 4096

def setup_inputs(seed: int = 0) -> dict:
    key = jax.random.key(seed)
    k1, k2, k3, k4 = jax.random.split(key, 4)
    x = jax.random.normal(k1, (B, C, T), dtype=jnp.float32)
    index = jax.random.randint(k2, (B,), 0, N_SPEAKERS, dtype=jnp.int64)
    shift_table = jax.random.normal(k3, (N_SPEAKERS, OUTPUT_SIZE), dtype=jnp.float32)
    scale_table = jax.random.normal(k4, (N_SPEAKERS, OUTPUT_SIZE), dtype=jnp.float32)
    return {"x": x, "index": index, "shift_table": shift_table, "scale_table": scale_table}

def reference(x, index, shift_table, scale_table):
    # shift = self.shift(index).unsqueeze(-1)
    shift = jnp.take(shift_table, index, axis=0)[:, :, None]  # [B, C, 1]
    # scale = self.scale(index).unsqueeze(-1)
    scale = jnp.take(scale_table, index, axis=0)[:, :, None]  # [B, C, 1]
    return scale * x + shift

if __name__ == "__main__":
    import jax
    _d = setup_inputs()
    print(jax.jit(kernel)(*tuple(_d.values())))

</pallas_src>

<mosaic_0001>
#map = affine_map<(d0, d1) -> (0, 0)>
#map1 = affine_map<(d0, d1) -> (0)>
module attributes {stable_mosaic.version = 14 : i64} {
  func.func @gather_kernel(%arg0: i32, %arg1: i32, %arg2: memref<5x512xf32, #tpu.memory_space<hbm>>, %arg3: memref<5x512xf32, #tpu.memory_space<hbm>>, %arg4: memref<16xi32, #tpu.memory_space<hbm>>, %arg5: memref<16x512xf32, #tpu.memory_space<hbm>>, %arg6: memref<16x512xf32, #tpu.memory_space<hbm>>, %arg7: memref<16xi32, #tpu.memory_space<vmem>>, %arg8: memref<16x512xf32, #tpu.memory_space<vmem>>, %arg9: memref<!tpu.dma_semaphore, #tpu.memory_space<semaphore_mem>>) attributes {dimension_semantics = [#tpu.dimension_semantics<core_parallel>, #tpu.dimension_semantics<subcore_parallel>], iteration_bounds = array<i64: 2, 16>, scalar_prefetch = 0 : i64, scratch_operands = 3 : i64, tpu.core_type = #tpu.core_type<sc_vector_subcore>, window_params = [{transform_indices = #map}, {transform_indices = #map}, {transform_indices = #map1}, {transform_indices = #map}, {transform_indices = #map}]} {
    %mul3A = arith.constant 2 : i32
    %mul3A_0 = arith.muli %arg1, %mul3A : i32
    %add3A = arith.addi %mul3A_0, %arg0 : i32
    %eq3A = arith.constant 0 : i32
    %eq3A_1 = arith.cmpi eq, %add3A, %eq3A : i32
    %convert_element_type3A = arith.extui %eq3A_1 : i1 to i32
    %cond3A = arith.constant 0 : i32
    %cond3A_2 = arith.cmpi ne, %convert_element_type3A, %cond3A : i32
    scf.if %cond3A_2 {
      "tpu.region"() ({
        %run_scoped3A = tpu.sem_alloc : memref<!tpu.dma_semaphore, #tpu.memory_space<semaphore_mem>>
        tpu.enqueue_dma source(%arg4 : memref<16xi32, #tpu.memory_space<hbm>>) target(%arg7 : memref<16xi32, #tpu.memory_space<vmem>>) target_semaphore(%run_scoped3A : memref<!tpu.dma_semaphore, #tpu.memory_space<semaphore_mem>>)
        tpu.wait_dma2 semaphore(%run_scoped3A : memref<!tpu.dma_semaphore, #tpu.memory_space<semaphore_mem>>) src(%arg4 : memref<16xi32, #tpu.memory_space<hbm>>) dst(%arg7 : memref<16xi32, #tpu.memory_space<vmem>>)
        tpu.yield
      }) : () -> ()
      %dma_start3A = arith.constant 0 : i32
      %dma_start3A_8 = arith.constant 0 : i32
      %dma_start3A_9 = tpu.memref_slice %arg2[%dma_start3A, %dma_start3A_8] : memref<5x512xf32, #tpu.memory_space<hbm>> -> memref<5x512xf32, #tpu.memory_space<hbm>>
      tpu.enqueue_indirect_dma source(%dma_start3A_9 : memref<5x512xf32, #tpu.memory_space<hbm>>) target(%arg8 : memref<16x512xf32, #tpu.memory_space<vmem>>) offsets(%arg7 : memref<16xi32, #tpu.memory_space<vmem>>) semaphore(%arg9 : memref<!tpu.dma_semaphore, #tpu.memory_space<semaphore_mem>>)
      %dma_wait3A = arith.constant 0 : i32
      %dma_wait3A_10 = arith.constant 0 : i32
      %dma_wait3A_11 = tpu.memref_slice %arg2[%dma_wait3A, %dma_wait3A_10] : memref<5x512xf32, #tpu.memory_space<hbm>> -> memref<5x512xf32, #tpu.memory_space<hbm>>
      tpu.wait_indirect_dma semaphore(%arg9 : memref<!tpu.dma_semaphore, #tpu.memory_space<semaphore_mem>>) src(%dma_wait3A_11 : memref<5x512xf32, #tpu.memory_space<hbm>>) dst(%arg8 : memref<16x512xf32, #tpu.memory_space<vmem>>)
      "tpu.region"() ({
        %run_scoped3A = tpu.sem_alloc : memref<!tpu.dma_semaphore, #tpu.memory_space<semaphore_mem>>
        tpu.enqueue_dma source(%arg8 : memref<16x512xf32, #tpu.memory_space<vmem>>) target(%arg5 : memref<16x512xf32, #tpu.memory_space<hbm>>) target_semaphore(%run_scoped3A : memref<!tpu.dma_semaphore, #tpu.memory_space<semaphore_mem>>)
        tpu.wait_dma2 semaphore(%run_scoped3A : memref<!tpu.dma_semaphore, #tpu.memory_space<semaphore_mem>>) src(%arg8 : memref<16x512xf32, #tpu.memory_space<vmem>>) dst(%arg5 : memref<16x512xf32, #tpu.memory_space<hbm>>)
        tpu.yield
      }) : () -> ()
    } else {
    }
    %eq3A_3 = arith.constant 1 : i32
    %eq3A_4 = arith.cmpi eq, %add3A, %eq3A_3 : i32
    %convert_element_type3A_5 = arith.extui %eq3A_4 : i1 to i32
    %cond3A_6 = arith.constant 0 : i32
    %cond3A_7 = arith.cmpi ne, %convert_element_type3A_5, %cond3A_6 : i32
    scf.if %cond3A_7 {
      "tpu.region"() ({
        %run_scoped3A = tpu.sem_alloc : memref<!tpu.dma_semaphore, #tpu.memory_space<semaphore_mem>>
        tpu.enqueue_dma source(%arg4 : memref<16xi32, #tpu.memory_space<hbm>>) target(%arg7 : memref<16xi32, #tpu.memory_space<vmem>>) target_semaphore(%run_scoped3A : memref<!tpu.dma_semaphore, #tpu.memory_space<semaphore_mem>>)
        tpu.wait_dma2 semaphore(%run_scoped3A : memref<!tpu.dma_semaphore, #tpu.memory_space<semaphore_mem>>) src(%arg4 : memref<16xi32, #tpu.memory_space<hbm>>) dst(%arg7 : memref<16xi32, #tpu.memory_space<vmem>>)
        tpu.yield
      }) : () -> ()
      %dma_start3A = arith.constant 0 : i32
      %dma_start3A_8 = arith.constant 0 : i32
      %dma_start3A_9 = tpu.memref_slice %arg3[%dma_start3A, %dma_start3A_8] : memref<5x512xf32, #tpu.memory_space<hbm>> -> memref<5x512xf32, #tpu.memory_space<hbm>>
      tpu.enqueue_indirect_dma source(%dma_start3A_9 : memref<5x512xf32, #tpu.memory_space<hbm>>) target(%arg8 : memref<16x512xf32, #tpu.memory_space<vmem>>) offsets(%arg7 : memref<16xi32, #tpu.memory_space<vmem>>) semaphore(%arg9 : memref<!tpu.dma_semaphore, #tpu.memory_space<semaphore_mem>>)
      %dma_wait3A = arith.constant 0 : i32
      %dma_wait3A_10 = arith.constant 0 : i32
      %dma_wait3A_11 = tpu.memref_slice %arg3[%dma_wait3A, %dma_wait3A_10] : memref<5x512xf32, #tpu.memory_space<hbm>> -> memref<5x512xf32, #tpu.memory_space<hbm>>
      tpu.wait_indirect_dma semaphore(%arg9 : memref<!tpu.dma_semaphore, #tpu.memory_space<semaphore_mem>>) src(%dma_wait3A_11 : memref<5x512xf32, #tpu.memory_space<hbm>>) dst(%arg8 : memref<16x512xf32, #tpu.memory_space<vmem>>)
      "tpu.region"() ({
        %run_scoped3A = tpu.sem_alloc : memref<!tpu.dma_semaphore, #tpu.memory_space<semaphore_mem>>
        tpu.enqueue_dma source(%arg8 : memref<16x512xf32, #tpu.memory_space<vmem>>) target(%arg6 : memref<16x512xf32, #tpu.memory_space<hbm>>) target_semaphore(%run_scoped3A : memref<!tpu.dma_semaphore, #tpu.memory_space<semaphore_mem>>)
        tpu.wait_dma2 semaphore(%run_scoped3A : memref<!tpu.dma_semaphore, #tpu.memory_space<semaphore_mem>>) src(%arg8 : memref<16x512xf32, #tpu.memory_space<vmem>>) dst(%arg6 : memref<16x512xf32, #tpu.memory_space<hbm>>)
        tpu.yield
      }) : () -> ()
    } else {
    }
    return
  }
}

module attributes {stable_mosaic.version = 14 : i64} {
  func.func @_film_body(%arg0: i32, %arg1: memref<256x1xf32, #tpu.memory_space<vmem>>, %arg2: memref<256x1xf32, #tpu.memory_space<vmem>>, %arg3: memref<256x4096xf32, #tpu.memory_space<vmem>>, %arg4: memref<256x4096xf32, #tpu.memory_space<vmem>>) attributes {dimension_semantics = [#tpu.dimension_semantics<arbitrary>], iteration_bounds = array<i64: 32>, scalar_prefetch = 0 : i64, scratch_operands = 0 : i64, tpu.core_type = #tpu.core_type<tc>, window_params = [{transform_indices = @transform_0, window_bounds = array<i64: 256, 1>}, {transform_indices = @transform_1, window_bounds = array<i64: 256, 1>}, {transform_indices = @transform_2, window_bounds = array<i64: 256, 4096>}, {transform_indices = @transform_3, window_bounds = array<i64: 256, 4096>}]} {
    %get3A = arith.constant 0 : index
    %get3A_0 = arith.constant 0 : index
    %get3A_1 = vector.load %arg1[%get3A, %get3A_0] : memref<256x1xf32, #tpu.memory_space<vmem>>, vector<256x1xf32>
    %get3A_2 = arith.constant 0 : index
    %get3A_3 = arith.constant 0 : index
    %get3A_4 = vector.load %arg3[%get3A_2, %get3A_3] : memref<256x4096xf32, #tpu.memory_space<vmem>>, vector<256x4096xf32>
    %mul3A = vector.broadcast %get3A_1 : vector<256x1xf32> to vector<256x4096xf32>
    %mul3A_5 = arith.mulf %mul3A, %get3A_4 : vector<256x4096xf32>
    %get3A_6 = arith.constant 0 : index
    %get3A_7 = arith.constant 0 : index
    %get3A_8 = vector.load %arg2[%get3A_6, %get3A_7] : memref<256x1xf32, #tpu.memory_space<vmem>>, vector<256x1xf32>
    %add3A = vector.broadcast %get3A_8 : vector<256x1xf32> to vector<256x4096xf32>
    %add3A_9 = arith.addf %mul3A_5, %add3A : vector<256x4096xf32>
    %swap3A = arith.constant 0 : index
    %swap3A_10 = arith.constant 0 : index
    %swap3A_11 = vector.load %arg4[%swap3A, %swap3A_10] : memref<256x4096xf32, #tpu.memory_space<vmem>>, vector<256x4096xf32>
    tpu.vector_store %arg4[%swap3A, %swap3A_10], %add3A_9 {strides = array<i32>} : memref<256x4096xf32, #tpu.memory_space<vmem>>, vector<256x4096xf32>,
    return
  }
  func.func @transform_0(%arg0: i32) -> (i32, i32) {
    %c0_i32 = arith.constant 0 : i32
    %c0_i32_0 = arith.constant 0 : i32
    return %arg0, %c0_i32 : i32, i32
  }
  func.func @transform_1(%arg0: i32) -> (i32, i32) {
    %c0_i32 = arith.constant 0 : i32
    %c0_i32_0 = arith.constant 0 : i32
    return %arg0, %c0_i32 : i32, i32
  }
  func.func @transform_2(%arg0: i32) -> (i32, i32) {
    %c0_i32 = arith.constant 0 : i32
    %c0_i32_0 = arith.constant 0 : i32
    return %arg0, %c0_i32 : i32, i32
  }
  func.func @transform_3(%arg0: i32) -> (i32, i32) {
    %c0_i32 = arith.constant 0 : i32
    %c0_i32_0 = arith.constant 0 : i32
    return %arg0, %c0_i32 : i32, i32
  }
}

</mosaic_0001>

<sc_bundles>
// kernel: kernel.4.cloned.1.call-start
scs
__scs_entry_jumppad:
0x0: {  	(pc) =	sbr.rel $0x88, $3  }
0x1: {  	(tag) =	ssettag $0x0;
	lr =	simm.s32 $0x1  }
0x2: {  	[smem:$0x3F9D] =	sst lr;
	_ =	strace $0xD0000000  }
0x3: {  	_ = 	snop  }
0x4: {  	_ = 	snop  }
0x5: {  	_ = 	snop  }
0x6: {  	_ = 	snop  }
0x7: {  	_ = 	snop  }
__scs_overlays_trampoline_lowered:
0x8: {  	[smem:$0x3FAC] =	sst s0  }
0x9: {  	[smem:$0x3FAD] =	sst s1  }
0xa: {  	[smem:$0x3FAE] =	sst s2  }
0xb: {  	[smem:$0x3FAF] =	sst s3  }
0xc: {  	[smem:$0x3FB0] =	sst s4  }
0xd: {  	[smem:$0x3FB1] =	sst s5  }
0xe: {  	[smem:$0x3FB2] =	sst s6  }
0xf: {  	[smem:$0x3FB3] =	sst s7  }
0x10: {  	[smem:$0x3FB4] =	sst s8  }
0x11: {  	[smem:$0x3FB5] =	sst s9;
	s0 =	simm.s32 @!p0 $0x0  }
0x12: {  	s1 =	sld [smem:$0x3F9B];
	s0 =	simm.s32 @p0 $0x1  }
0x13: {  	[smem:$0x3FB6] =	sst s0;
	s0 =	simm.s32 @!p1 $0x0  }
0x14: {  	s2 =	sld [smem:$0x3F9A];
	s0 =	simm.s32 @p1 $0x1  }
0x15: {  	[smem:$0x3FB7] =	sst s0;
	s0 =	simm.s32 @!p2 $0x0  }
0x16: {  	s3 =	sld [smem:$0x3FDB];
	s0 =	simm.s32 @p2 $0x1  }
0x17: {  	s4 =	simm.s32 $0x1BF5;
	[smem:$0x3FB9] =	sst s0  }
0x18: {  	s0 =	sld [smem:$0x3F9C];
	_ =	swait.ge [sflag:s4], $0x0  }
0x19: {  	s7 =	sld [smem:$0x3F9D]  }
0x1a: {  	s8 =	sadd.s32 $0xFFFFE003, lr  }
0x1b: {  	s9 =	sadd.s32 $0xFFFFFEF7, lr;
	s5 =	simm.s32 $0xFFFFFFFF;
	p2 =	slt.u32 s8, $0xFFFFF086  }
0x1c: {  	p1 =	slt.u32 s9, $0xF7A;
	s5 =	simm.s32 @!p2 $0x0  }
0x1d: {  	s5 =	simm.s32 @p1 $0x1;
	p0 =	seq.s32 s7, s2  }
0x1e: {  	s7 =	smul.u32 @!p0 $0xF7A, s2;
	p2 =	seq.s32 @!p0 s5, $0x0  }
0x1f: {  	s9 =	smul.u32 $0xF7A, s1;
	s8 =	simm.s32 @!p0 $0x1BF5;
	p2 =	por !p2, p0  }
0x20: {  	[sflag:s8] =	ssyncset.s32 @!p0 $0xFFFFF086;
	s6 =	sadd.s32 @!p0 s3, s7;
	s7 =	simm.s32 @!p0 $0x108  }
0x21: {  	s3 =	sadd.s32 s3, s9;
	s6 =	sadd.s32 @!p0 $0x88, s6;
	s7 =	simm.s32 @p2 $0x1082  }
0x22: {  	[simem:s7], [sflag:s8] =	dma.local @!p0 [hbm:s6], $0xF7A  }
0x23: {  	s9 =	sor.u32 $0xD0000000, s2;
	s6 =	simm.s32 $0x108;
	_ =	swait.ge @!p0 [sflag:s8], $0x0  }
0x24: {  	s3 =	sadd.s32 $0x88, s3;
	s6 =	simm.s32 @!p1 $0x1082;
	[sflag:s4] =	ssyncset.s32 $0xFFFFF086  }
0x25: {  	[simem:s6], [sflag:s4] =	dma.local [hbm:s3], $0xF7A  }
0x26: {  	[smem:$0x3F9D] =	sst s1;
	(tag) =	ssettag s2;
	_ =	strace s9  }
0x27: {  	s1 =	sld [smem:$0x3FAD]  }
0x28: {  	s2 =	sld [smem:$0x3FAE]  }
0x29: {  	s4 =	sld [smem:$0x3FB0]  }
0x2a: {  	p0 =	seq.s32 s5, $0x0;
	s5 =	sld [smem:$0x3FB1]  }
0x2b: {  	s6 =	sld [smem:$0x3FB2]  }
0x2c: {  	s7 =	sld [smem:$0x3FB3]  }
0x2d: {  	s3 =	simm.s32 $0x108;
	s8 =	sld [smem:$0x3FB4]  }
0x2e: {  	s3 =	simm.s32 @!p0 $0x1082;
	s9 =	sld [smem:$0x3FB5]  }
0x2f: {  	lr =	sadd.s32 s0, s3;
	s0 =	sld [smem:$0x3FAC]  }
0x30: {  	s3 =	sld [smem:$0x3FAF]  }
0x31: {  	[smem:$0x3FB8] =	sst s10  }
0x32: {  	s10 =	sld [smem:$0x3FB6];
	_ =	sdelay $0x3  }
0x33: {  	p0 =	seq.s32 s10, $0x1;
	s10 =	sld [smem:$0x3FB8];
	_ =	sdelay $0x3  }
0x34: {  	[smem:$0x3FB8] =	sst s10  }
0x35: {  	s10 =	sld [smem:$0x3FB7];
	_ =	sdelay $0x3  }
0x36: {  	p1 =	seq.s32 s10, $0x1;
	s10 =	sld [smem:$0x3FB8];
	_ =	sdelay $0x3  }
0x37: {  	[smem:$0x3FB8] =	sst s10  }
0x38: {  	s10 =	sld [smem:$0x3FB9]  }
0x39: {  	_ = 	snop;
	(pc) =	sbr.ind lr, $3  }
0x3a: {  	_ = 	snop  }
0x3b: {  	_ = 	snop  }
0x3c: {  	p2 =	seq.s32 s10, $0x1;
	s10 =	sld [smem:$0x3FB8]  }
0x3d: {  	_ =	shalt  }
0x3e: {  	_ =	shalt  }
0x3f: {  	_ =	shalt  }
0x40: {  	_ =	shalt  }
0x41: {  	_ =	shalt  }
0x42: {  	_ =	shalt  }
0x43: {  	_ =	shalt  }
0x44: {  	_ =	shalt  }
0x45: {  	_ =	shalt  }
0x46: {  	_ =	shalt  }
0x47: {  	_ =	shalt  }
0x48: {  	_ =	shalt  }
0x49: {  	_ =	shalt  }
0x4a: {  	_ =	shalt  }
0x4b: {  	_ =	shalt  }
0x4c: {  	_ =	shalt  }
0x4d: {  	_ =	shalt  }
0x4e: {  	_ =	shalt  }
0x4f: {  	_ =	shalt  }
0x50: {  	_ =	shalt  }
0x51: {  	_ =	shalt  }
0x52: {  	_ =	shalt  }
0x53: {  	_ =	shalt  }
0x54: {  	_ =	shalt  }
0x55: {  	_ =	shalt  }
0x56: {  	_ =	shalt  }
0x57: {  	_ =	shalt  }
0x58: {  	_ =	shalt  }
0x59: {  	_ =	shalt  }
0x5a: {  	_ =	shalt  }
0x5b: {  	_ =	shalt  }
0x5c: {  	_ =	shalt  }
0x5d: {  	_ =	shalt  }
0x5e: {  	_ =	shalt  }
0x5f: {  	_ =	shalt  }
0x60: {  	_ =	shalt  }
0x61: {  	_ =	shalt  }
0x62: {  	_ =	shalt  }
0x63: {  	_ =	shalt  }
0x64: {  	_ =	shalt  }
0x65: {  	_ =	shalt  }
0x66: {  	_ =	shalt  }
0x67: {  	_ =	shalt  }
0x68: {  	_ =	shalt  }
0x69: {  	_ =	shalt  }
0x6a: {  	_ =	shalt  }
0x6b: {  	_ =	shalt  }
0x6c: {  	_ =	shalt  }
0x6d: {  	_ =	shalt  }
0x6e: {  	_ =	shalt  }
0x6f: {  	_ =	shalt  }
0x70: {  	_ =	shalt  }
0x71: {  	_ =	shalt  }
0x72: {  	_ =	shalt  }
0x73: {  	_ =	shalt  }
0x74: {  	_ =	shalt  }
0x75: {  	_ =	shalt  }
0x76: {  	_ =	shalt  }
0x77: {  	_ =	shalt  }
0x78: {  	_ =	shalt  }
0x79: {  	_ =	shalt  }
0x7a: {  	_ =	shalt  }
0x7b: {  	_ =	shalt  }
0x7c: {  	_ =	shalt  }
0x7d: {  	_ =	shalt  }
0x7e: {  	_ =	shalt  }
0x7f: {  	_ =	shalt  }
0x80: {  	_ =	shalt  }
0x81: {  	_ =	shalt  }
0x82: {  	_ =	shalt  }
0x83: {  	_ =	shalt  }
0x84: {  	_ =	shalt  }
0x85: {  	_ =	shalt  }
0x86: {  	_ =	shalt  }
0x87: {  	_ =	shalt  }
.Lfunc_end0:
.L_simem_size_0:
called_computation_lowered:
.L_overlay_start_0:
0x88: {  	s2 =	sld [smem:$0x3FD9]  }
0x89: {  	s3 =	sld [smem:$0x3FFE];
	_ =	sdelay $0x1  }
0x8a: {  	s1 =	srdreg.scid  }
0x8b: {  	s0 =	sand.u32 $0x1, s1  }
0x8c: {  	s17 =	sshll.u32 s0, $0xA;
	s2 =	sadd.s32 s3, s2  }
0x8d: {  	s2 =	sadd.s32 s2, s17  }
0x8e: {  	[smem:$0x3FC4] =	sst s2  }
0x8f: {  	_ = 	snop  }
0x90: {  	s2 =	sld [smem:$0x3FC8]  }
0x91: {  	s18 =	sld [smem:$0x3FC7]  }
0x92: {  	s4 =	sld [smem:$0x3FC6]  }
0x93: {  	s5 =	sld [smem:$0x3FD0];
	(tm) =	ssettm $0x1  }
0x94: {  	s6 =	sld [smem:$0x3FFB];
	_ =	sdelay $0x3  }
0x95: {  	_ =	strace s6  }
0x96: {  	s6 =	sld [smem:$0x3FFC];
	_ =	sdelay $0x3  }
0x97: {  	_ =	strace s6  }
0x98: {  	s6 =	sld [smem:$0x3FFD];
	_ =	sdelay $0x3  }
0x99: {  	_ =	strace s6  }
0x9a: {  	_ =	strace $0x8FFFFFFF  }
0x9b: {  	s19 =	sld [smem:$0x3FDB];
	_ =	sdelay $0x1  }
0x9c: {  	s7 =	simm.s32 $_scs_section_size  }
0x9d: {  	s8 =	simm.s32 $_size__tile_overlayer_lowered;
	s9 =	simm.s32 $_tile_overlayer_lowered  }
0x9e: {  	s22 =	simm.s32 $0x1BFF;
	s21 =	sshll.u32 s9, $0x1;
	s6 =	sadd.s32 s7, s19  }
0x9f: {  	s10 =	simm.s32 $0x0;
	s20 =	sshll.u32 s8, $0x1;
	s8 =	sadd.s32 s21, s6  }
0xa0: {  	[timem:s10], [sflag:s22] =	dma.local [hbm:s8], s20  }
0xa1: {  	_ =	swait.ge [sflag:s22], s20  }
0xa2: {  	s7 =	ssub.s32 $0x0, s20;
	[sflag:s22] =	ssyncset.done $0x0  }
0xa3: {  	[sflag:s22] =	ssyncadd.s32 s7;
	_ =	sdelay $0x1  }
0xa4: {  	s23 =	simm.s32 $0x1B8B  }
0xa5: {  	_ =	swait.ge [sflag:s23], $0x1  }
0xa6: {  	[sflag:s23] =	ssyncset.done $0x0  }
0xa7: {  	s25 =	simm.s32 $0x1B8E;
	s24 =	sld [smem:$0x3FFE];
	[sflag:s23] =	ssyncadd.s32 $0xFFFFFFFF  }
0xa8: {  	s26 =	simm.s32 $execute0_lowered;
	[smem:$0x3FD2] =	sst s25  }
0xa9: {  	s8 =	sshll.u32 s26, $0x1;
	_ =	strace $0x80000046;
	[dreg:$0x1] =	wrdreg $0xFFFFFFFF  }
0xaa: {  	s28 =	simm.s32 $_size_execute0_lowered;
	s6 =	sadd.s32 s6, s8;
	[dreg:$0x0] =	wrdreg $0x0  }
0xab: {  	s8 =	sshll.u32 s28, $0x1;
	[dreg:$0x2] =	wrdreg s6  }
0xac: {  	[dreg:$0x3] =	wrdreg s8  }
0xad: {  	[dreg:$0x4] =	wrdreg $0xC0  }
0xae: {  	_ =	task [dreg:s10], $0x5FFFF  }
0xaf: {  	[dreg:$0x1] =	wrdreg $0xFFFFFFFF  }
0xb0: {  	[dreg:$0x0] =	wrdreg $0x60  }
0xb1: {  	[dreg:$0x2] =	wrdreg s4  }
0xb2: {  	[dreg:$0x3] =	wrdreg s18  }
0xb3: {  	[dreg:$0x4] =	wrdreg s2  }
0xb4: {  	[dreg:$0x5] =	wrdreg s5  }
0xb5: {  	[dreg:$0x6] =	wrdreg s24  }
0xb6: {  	[dreg:$0x7] =	wrdreg $0x9  }
0xb7: {  	_ =	task.clear_ibuf [dreg:s10], $0x8FFFF;
	_ =	strace $0x90000046  }
0xb8: {  	s29 =	simm.s32 $0x9;
	_ =	strace $0x80000048  }
0xb9: {  	_ =	swait.ge [sflag:s29], $0x1  }
0xba: {  	[sflag:s29] =	ssyncadd.s32 $0xFFFFFFFF  }
0xbb: {  	_ =	strace $0x90000048  }
0xbc: {  	_ =	sfence  }
0xbd: {  	s30 =	sld [smem:$0x0];
	_ =	sdelay $0x2  }
0xbe: {  	s31 =	sshll.u32 s1, $0xD;
	s1 =	sshrl.u32 s1, $0x2  }
0xbf: {  	s3 =	sand.u32 $0x4000, s31;
	s1 =	sadd.s32 s1, s30  }
0xc0: {  	s0 =	sor.u32 s3, s0;
	s1 =	sshll.u32 s1, $0x11  }
0xc1: {  	s0 =	sor.u32 s1, s0  }
0xc2: {  	s0 =	sadd.s32 $0x8F2B, s0  }
0xc3: {  	[sflag:s0] =	ssyncadd.remote.s32 $0x1  }
0xc4: {  	_ =	sfence.sel $0xFFFF  }
0xc5: {  	[dreg:$0x0] =	wrdreg $0xFFFFFFFF;
	(pc) =	sbr.abs _section_cstart, $3  }
0xc6: {  	[dreg:$0x1] =	wrdreg $0xFFFFFFFF  }
0xc7: {  	_ =	task.clear_ibuf [dreg:s10], $0x2FFFF;
	_ =	strace $0x9FFFFFFF  }
0xc8: {  	(tm) =	ssettm $0x7FFFFFFF  }
0xc9: {  	_ =	shalt  }
tec
execute0_lowered:
.L_overlay_start_1:
0x0: {  	(tag) =	ssettag $0x1  }
0x1: {  	s0 =	rddreg [dreg:$0x0]  }
0x2: {  	s1 =	rddreg [dreg:$0x1]  }
0x3: {  	s3 =	rddreg [dreg:$0x2]  }
0x4: {  	s4 =	rddreg [dreg:$0x3]  }
0x5: {  	s2 =	srdreg.scid;
	s6 =	rddreg [dreg:$0x4]  }
0x6: {  	s5 =	stileid.u32;
	s10 =	simm.s32 $0x80;
	s11 =	simm.s32 $0x880  }
0x7: {  	s12 =	simm.s32 $0x1080;
	s13 =	simm.s32 $0x1880;
	s14 =	simm.s32 $0x1  }
.Ltmp0:
0x8: {  	s7 =	sand.u32 $0x1, s2;
	s2 =	rddreg [dreg:$0x5];
	(pc) =	sbr.rel .LBB2_1-.Ltmp0, $4  }
0x9: {  	_ =	strace $0x80000047;
	s31 =	sshll.u32 s5, $0x1;
	s8 =	ssub.s32 $0x2, s7  }
0xa: {  	v2 =	vlaneseq.u32;
	s6 =	sadd.s32 $0x800, s6;
	s15 =	sor.u32 s7, s31;
	s9 =	sshrl.u32 s8, $0x1  }
0xb: {  	vm0 =	vmmov $0xffff;
	v1 =	vshrl.u32 v2, $0x3;
	p0 =	seq.s32 s15, $0x0;
	p1 =	sne.s32 s15, $0x1;
	s8 =	ssub.s32 s8, s9  }
0xc: {  	v0 =	vand.u32 $0x7, v2;
	v2 =	vor.u32 $0x8, v2;
	v1 =	vmul.u32 $0x8, v1;
	s9 =	simm.s32 $0x2;
	s7 =	smax.u32 s8, $0x1;
	s8 =	simm.s32 $0x0  }
.LBB2_4:
0xd: {  	[tilespmem:s8], [sflag:$0x2] =	stream.linear.gather [hbm4b:s3+s8], $0x80, $0x38;
	[tilespmem:$0x2080] =	vst v63  }
0xe: {  	_ =	swait.ge [sflag:s9], $0x80  }
0xf: {  	[sflag:s9] =	ssyncset.done $0x0  }
0x10: {  	[sflag:s9] =	ssyncadd.s32 $0xFFFFFF80  }
0x11: {  	v3 =	vld [tilespmem:$0x0];
	_ =	sdelay $0x4  }
0x12: {  	v4 =	vshll.u32 v3, $0x2  }
0x13: {  	v3 =	vand.u32 $0x7, v3;
	v4 =	vand.u32 $0xFFFFFFE0, v4  }
0x14: {  	v3 =	vor.u32 v3, v4  }
0x15: {  	v4 =	vperm.xlane v3, v0;
	_ =	sdelay $0x1  }
0x16: {  	v4 =	vadd.s32 v1, v4;
	_ =	sdelay $0x1  }
0x17: {  	v3 =	vperm.xlane v3, v2;
	_ =	sdelay $0x1  }
0x18: {  	v3 =	vadd.s32 v1, v3  }
0x19: {  	[tilespmem:s10], [sflag:$0x1] =	stream.indirect_vreg.gather [hbm4b:s16+s8], $0x80, v4, vm0, $0xb8;
	[tilespmem:$0x2080] =	vst v63  }
0x1a: {  	s17 =	sadd.s32 $0x100, s17  }
0x1b: {  	[tilespmem:s11], [sflag:$0x1] =	stream.indirect_vreg.gather [hbm4b:s17+s8], $0x80, v4, vm0, $0xb8;
	[tilespmem:$0x2080] =	vst v63  }
0x1c: {  	_ = 	snop  }
0x1d: {  	[tilespmem:s12], [sflag:$0x1] =	stream.indirect_vreg.gather [hbm4b:s16+s8], $0x80, v3, vm0, $0xb8;
	[tilespmem:$0x2080] =	vst v63  }
0x1e: {  	_ = 	snop  }
0x1f: {  	[tilespmem:s13], [sflag:$0x1] =	stream.indirect_vreg.gather [hbm4b:s17+s8], $0x80, v3, vm0, $0xb8;
	[tilespmem:$0x2080] =	vst v63  }
0x20: {  	_ =	swait.ge [sflag:s14], $0x2000  }
0x21: {  	[sflag:s14] =	ssyncset.done $0x0  }
0x22: {  	[sflag:s14] =	ssyncadd.s32 $0xFFFFE000  }
0x23: {  	[hbm4b:s15+s8] =	stream.linear.scatter [tilespmem:s10], [sflag:$0x2], $0x2000, $0x38;
	[tilespmem:$0x2080] =	vst v63  }
0x24: {  	_ =	swait.ge [sflag:s9], $0x2000  }
0x25: {  	[sflag:s9] =	ssyncset.done $0x0  }
0x26: {  	[sflag:s9] =	ssyncadd.s32 $0xFFFFE000  }
.LBB2_5:
0x27: {  	s7 =	sadd.s32 $0xFFFFFFFF, s7  }
0x28: {  	p2 =	sne.s32 s7, $0x0  }
.Ltmp1:
0x29: {  	_ = 	snop;
	(pc) =	sbr.rel @!p2 .LBB2_6-.Ltmp1, $1  }
0x2a: {  	_ =	sdelay $0x3  }
.LBB2_1:
.Ltmp2:
0x2b: {  	(pc) =	sbr.rel @p0 .LBB2_4-.Ltmp2, $2  }
0x2c: {  	_ =	sdelay $0x2  }
0x2d: {  	s16 =	smov.u32 s0;
	s17 =	smov.u32 s0;
	s15 =	smov.u32 s4  }
.Ltmp3:
0x2e: {  	(pc) =	sbr.rel @p1 .LBB2_5-.Ltmp3, $1  }
0x2f: {  	_ =	sdelay $0x3  }
.Ltmp4:
0x30: {  	(pc) =	sbr.rel .LBB2_4-.Ltmp4, $2  }
0x31: {  	_ =	sdelay $0x2  }
0x32: {  	s16 =	smov.u32 s1;
	s17 =	smov.u32 s1;
	s15 =	smov.u32 s6  }
.LBB2_6:
0x33: {  	_ =	sfence.sel $0x180000  }
0x34: {  	[bflag:$0x0] =	sbarrier.arrive $0xFFFF  }
0x35: {  	p0 =	sne.s32 s5, $0x0;
	_ =	strace $0x90000047  }
0x36: {  	s0 =	sadd.s32 @!p0 $0x100000, s2;
	[bflag:$0x2] =	sbarrier.arrive $0xFFFF  }
0x37: {  	[sflag:s0] =	ssyncadd.tile.s32 @!p0 $0x1;
	_ =	shalt  }
.Lfunc_end2:
_tile_overlayer_lowered:
.L_overlay_start_2:
0x38: {  	(tag) =	ssettag $0x2  }
0x39: {  	s0 =	rddreg [dreg:$0x0];
	s2 =	stileid.u32  }
0x3a: {  	s1 =	rddreg [dreg:$0x1];
	p0 =	sne.s32 s2, $0x0  }
0x3b: {  	s3 =	rddreg [dreg:$0x2];
	[bflag:$0x3] =	sbarrier.arrive $0xFFFF;
	s2 =	simm.s32 @!p0 $0x1C02  }
0x3c: {  	[timem:s3], [sflag:s2] =	dma.local @!p0 [hbm:s0], s1  }
0x3d: {  	s0 =	simm.s32 @!p0 $0x2  }
0x3e: {  	_ =	swait.ge @!p0 [sflag:s0], s1  }
0x3f: {  	s1 =	ssub.s32 @!p0 $0x0, s1;
	[sflag:s0] =	ssyncset.done @!p0 $0x0  }
0x40: {  	[sflag:s0] =	ssyncadd.s32 @!p0 s1  }
0x41: {  	[bflag:$0x3] =	sbarrier.arrive $0xFFFF  }
0x42: {  	_ =	shalt  }

</sc_bundles>
